<compile_context>
chip_gen: v7x
topology: tpu7x:2x2x1
jax: 0.10.2.dev20260603
libtpu: 0.0.44.dev20260713+nightly
codegen_flags: <defaults>
</compile_context>

<pallas_src>
import functools

import jax
import jax.numpy as jnp
from jax import lax
from jax.experimental import pallas as pl
from jax.experimental.pallas import tpu as pltpu
from jax.experimental.pallas import tpu_sc as plsc

N = 1024
D = 256
K = 8192
KC = 2048


def _argmin_body(a_sq_ref, z_ref, cb_ref, idx_ref, dist_ref):
    k = pl.program_id(0)
    cb = cb_ref[...]
    zm2 = z_ref[...] * (-2.0)
    ab2 = lax.dot_general(
        cb, zm2, (((1,), (1,)), ((), ())),
        preferred_element_type=jnp.float32)
    bsq = jnp.sum(cb * cb, axis=1, keepdims=True)
    d = (a_sq_ref[...] + ab2) + bsq
    m = jnp.min(d, axis=0, keepdims=True)
    row_f = lax.broadcasted_iota(jnp.int32, (KC, 1), 0).astype(jnp.float32)
    colf = jnp.where(d == m, row_f, jnp.float32(K))
    lif = jnp.min(colf, axis=0, keepdims=True)
    li = lif.astype(jnp.int32) + k * KC

    @pl.when(k == 0)
    def _():
        dist_ref[...] = m
        idx_ref[...] = li

    @pl.when(k > 0)
    def _():
        p = m < dist_ref[...]
        dist_ref[...] = jnp.where(p, m, dist_ref[...])
        idx_ref[...] = jnp.where(p, li, idx_ref[...])


def _argmin_call(a_sq, z, codebook):
    return pl.pallas_call(
        _argmin_body,
        grid=(K // KC,),
        in_specs=[
            pl.BlockSpec((1, N), lambda k: (0, 0)),
            pl.BlockSpec((N, D), lambda k: (0, 0)),
            pl.BlockSpec((KC, D), lambda k: (k, 0)),
        ],
        out_specs=[
            pl.BlockSpec((1, N), lambda k: (0, 0)),
            pl.BlockSpec((1, N), lambda k: (0, 0)),
        ],
        out_shape=[
            jax.ShapeDtypeStruct((1, N), jnp.int32),
            jax.ShapeDtypeStruct((1, N), jnp.float32),
        ],
        compiler_params=pltpu.CompilerParams(
            dimension_semantics=("arbitrary",)),
    )(a_sq, z, codebook)


@functools.cache
def _make_sc_gather(num_rows):
    mesh = plsc.VectorSubcoreMesh(core_axis_name="c", subcore_axis_name="s",
                                  num_cores=1, num_subcores=16)
    nc, ns = mesh.num_cores, mesh.num_subcores
    nw = nc * ns
    b_per_w = num_rows // nw

    @functools.partial(
        pl.kernel,
        mesh=mesh,
        out_type=jax.ShapeDtypeStruct((num_rows, D), jnp.float32),
        scratch_types=[
            pltpu.VMEM((b_per_w,), jnp.int32),
            pltpu.VMEM((b_per_w, D), jnp.float32),
            pltpu.SemaphoreType.DMA,
        ],
    )
    def gather(table_hbm, idx_hbm, out_hbm, idx_v, rows_v, sem):
        wid = lax.axis_index("s") * nc + lax.axis_index("c")
        base = wid * b_per_w
        pltpu.sync_copy(idx_hbm.at[pl.ds(base, b_per_w)], idx_v)
        pltpu.async_copy(table_hbm.at[idx_v], rows_v, sem).wait()
        pltpu.sync_copy(rows_v, out_hbm.at[pl.ds(base, b_per_w)])

    return gather


def kernel(z_e, codebook):
    hh, ww, d = z_e.shape
    z = z_e.reshape(hh * ww, d)
    a_sq = jnp.sum(z * z, axis=1)[None, :]
    idx2, dist2 = _argmin_call(a_sq, z, codebook)
    indices_flat = idx2.reshape(hh * ww)
    min_distances = dist2.reshape(hh * ww)
    z_q_flat = _make_sc_gather(hh * ww)(codebook, indices_flat)
    return (z_q_flat.reshape(hh, ww, d),
            indices_flat.reshape(hh, ww),
            min_distances)

# --- scband reference (transcript-rebuilt; emitter-appended) ---
"""Pipeline reference for scband-vector-quantizer-30837865185315 (READ-ONLY COPY).

The authoritative reference and input builder live on the scoring server;
editing this copy changes nothing except your own understanding.
"""

import jax, jax.numpy as jnp
import numpy as np

NUM_EMBEDDINGS = 8192
EMBEDDING_DIM = 256
H, W = 32, 32


def setup_inputs(seed: int = 0) -> dict:
    key = jax.random.key(seed)
    k1, k2 = jax.random.split(key)
    z_e = jax.random.normal(k1, (H, W, EMBEDDING_DIM), dtype=jnp.float32)
    codebook = jax.random.normal(k2, (NUM_EMBEDDINGS, EMBEDDING_DIM), dtype=jnp.float32) * 0.02
    return {"z_e": z_e, "codebook": codebook}


def reference(z_e, codebook):
    # quantize(z_e): flatten spatial, squared euclidean distances, argmin, gather
    Hh, Ww, D = z_e.shape
    z_e_flat = z_e.reshape(Hh * Ww, D)
    a_sq = jnp.sum(z_e_flat * z_e_flat, axis=1, keepdims=True)
    b_sq = jnp.sum(codebook * codebook, axis=1, keepdims=True).T
    ab = z_e_flat @ codebook.T
    distances = a_sq - 2.0 * ab + b_sq
    indices_flat = jnp.argmin(distances, axis=1)
    min_distances = jnp.min(distances, axis=1)
    z_q_flat = jnp.take(codebook, indices_flat, axis=0)
    z_q = z_q_flat.reshape(Hh, Ww, D)
    indices = indices_flat.reshape(Hh, Ww)
    return (z_q, indices, min_distances)

if __name__ == "__main__":
    import jax
    _d = setup_inputs()
    print(jax.jit(kernel)(*tuple(_d.values())))

</pallas_src>

<mosaic_0001>
#map = affine_map<(d0, d1) -> (0, 0)>
#map1 = affine_map<(d0, d1) -> (0)>
module attributes {stable_mosaic.version = 14 : i64} {
  func.func @gather(%arg0: i32, %arg1: i32, %arg2: memref<8192x256xf32, #tpu.memory_space<hbm>>, %arg3: memref<1024xi32, #tpu.memory_space<hbm>>, %arg4: memref<1024x256xf32, #tpu.memory_space<hbm>>, %arg5: memref<64xi32, #tpu.memory_space<vmem>>, %arg6: memref<64x256xf32, #tpu.memory_space<vmem>>, %arg7: memref<!tpu.dma_semaphore, #tpu.memory_space<semaphore_mem>>) attributes {dimension_semantics = [#tpu.dimension_semantics<core_parallel>, #tpu.dimension_semantics<subcore_parallel>], iteration_bounds = array<i64: 1, 16>, scalar_prefetch = 0 : i64, scratch_operands = 3 : i64, tpu.core_type = #tpu.core_type<sc_vector_subcore>, window_params = [{transform_indices = #map}, {transform_indices = #map1}, {transform_indices = #map}]} {
    %mul3A = arith.constant 1 : i32
    %mul3A_0 = arith.muli %arg1, %mul3A : i32
    %add3A = arith.addi %mul3A_0, %arg0 : i32
    %mul3A_1 = arith.constant 64 : i32
    %mul3A_2 = arith.muli %add3A, %mul3A_1 : i32
    "tpu.region"() ({
      %run_scoped3A = tpu.sem_alloc : memref<!tpu.dma_semaphore, #tpu.memory_space<semaphore_mem>>
      %dma_start3A_7 = tpu.memref_slice %arg3[%mul3A_2] : memref<1024xi32, #tpu.memory_space<hbm>> -> memref<64xi32, #tpu.memory_space<hbm>>
      %dma_start3A_8 = tpu.memref_slice %arg3[%mul3A_2] : memref<1024xi32, #tpu.memory_space<hbm>> -> memref<64xi32, #tpu.memory_space<hbm>>
      tpu.enqueue_dma source(%dma_start3A_8 : memref<64xi32, #tpu.memory_space<hbm>>) target(%arg5 : memref<64xi32, #tpu.memory_space<vmem>>) target_semaphore(%run_scoped3A : memref<!tpu.dma_semaphore, #tpu.memory_space<semaphore_mem>>)
      %dma_wait3A_9 = tpu.memref_slice %arg3[%mul3A_2] : memref<1024xi32, #tpu.memory_space<hbm>> -> memref<64xi32, #tpu.memory_space<hbm>>
      %dma_wait3A_10 = tpu.memref_slice %arg3[%mul3A_2] : memref<1024xi32, #tpu.memory_space<hbm>> -> memref<64xi32, #tpu.memory_space<hbm>>
      tpu.wait_dma2 semaphore(%run_scoped3A : memref<!tpu.dma_semaphore, #tpu.memory_space<semaphore_mem>>) src(%dma_wait3A_10 : memref<64xi32, #tpu.memory_space<hbm>>) dst(%arg5 : memref<64xi32, #tpu.memory_space<vmem>>)
      tpu.yield
    }) : () -> ()
    %dma_start3A = arith.constant 0 : i32
    %dma_start3A_3 = arith.constant 0 : i32
    %dma_start3A_4 = tpu.memref_slice %arg2[%dma_start3A, %dma_start3A_3] : memref<8192x256xf32, #tpu.memory_space<hbm>> -> memref<8192x256xf32, #tpu.memory_space<hbm>>
    tpu.enqueue_indirect_dma source(%dma_start3A_4 : memref<8192x256xf32, #tpu.memory_space<hbm>>) target(%arg6 : memref<64x256xf32, #tpu.memory_space<vmem>>) offsets(%arg5 : memref<64xi32, #tpu.memory_space<vmem>>) semaphore(%arg7 : memref<!tpu.dma_semaphore, #tpu.memory_space<semaphore_mem>>)
    %dma_wait3A = arith.constant 0 : i32
    %dma_wait3A_5 = arith.constant 0 : i32
    %dma_wait3A_6 = tpu.memref_slice %arg2[%dma_wait3A, %dma_wait3A_5] : memref<8192x256xf32, #tpu.memory_space<hbm>> -> memref<8192x256xf32, #tpu.memory_space<hbm>>
    tpu.wait_indirect_dma semaphore(%arg7 : memref<!tpu.dma_semaphore, #tpu.memory_space<semaphore_mem>>) src(%dma_wait3A_6 : memref<8192x256xf32, #tpu.memory_space<hbm>>) dst(%arg6 : memref<64x256xf32, #tpu.memory_space<vmem>>)
    "tpu.region"() ({
      %run_scoped3A = tpu.sem_alloc : memref<!tpu.dma_semaphore, #tpu.memory_space<semaphore_mem>>
      %dma_start3A_7 = arith.constant 0 : i32
      %dma_start3A_8 = tpu.memref_slice %arg4[%mul3A_2, %dma_start3A_7] : memref<1024x256xf32, #tpu.memory_space<hbm>> -> memref<64x256xf32, #tpu.memory_space<hbm>>
      %dma_start3A_9 = arith.constant 0 : i32
      %dma_start3A_10 = tpu.memref_slice %arg4[%mul3A_2, %dma_start3A_9] : memref<1024x256xf32, #tpu.memory_space<hbm>> -> memref<64x256xf32, #tpu.memory_space<hbm>>
      tpu.enqueue_dma source(%arg6 : memref<64x256xf32, #tpu.memory_space<vmem>>) target(%dma_start3A_10 : memref<64x256xf32, #tpu.memory_space<hbm>>) target_semaphore(%run_scoped3A : memref<!tpu.dma_semaphore, #tpu.memory_space<semaphore_mem>>)
      %dma_wait3A_11 = arith.constant 0 : i32
      %dma_wait3A_12 = tpu.memref_slice %arg4[%mul3A_2, %dma_wait3A_11] : memref<1024x256xf32, #tpu.memory_space<hbm>> -> memref<64x256xf32, #tpu.memory_space<hbm>>
      %dma_wait3A_13 = arith.constant 0 : i32
      %dma_wait3A_14 = tpu.memref_slice %arg4[%mul3A_2, %dma_wait3A_13] : memref<1024x256xf32, #tpu.memory_space<hbm>> -> memref<64x256xf32, #tpu.memory_space<hbm>>
      tpu.wait_dma2 semaphore(%run_scoped3A : memref<!tpu.dma_semaphore, #tpu.memory_space<semaphore_mem>>) src(%arg6 : memref<64x256xf32, #tpu.memory_space<vmem>>) dst(%dma_wait3A_14 : memref<64x256xf32, #tpu.memory_space<hbm>>)
      tpu.yield
    }) : () -> ()
    return
  }
}

module attributes {stable_mosaic.version = 14 : i64} {
  func.func @_argmin_body(%arg0: i32, %arg1: memref<1x1024xf32, #tpu.memory_space<vmem>>, %arg2: memref<1024x256xf32, #tpu.memory_space<vmem>>, %arg3: memref<2048x256xf32, #tpu.memory_space<vmem>>, %arg4: memref<1x1024xi32, #tpu.memory_space<vmem>>, %arg5: memref<1x1024xf32, #tpu.memory_space<vmem>>) attributes {dimension_semantics = [#tpu.dimension_semantics<arbitrary>], iteration_bounds = array<i64: 4>, scalar_prefetch = 0 : i64, scratch_operands = 0 : i64, tpu.core_type = #tpu.core_type<tc>, window_params = [{pipeline_mode = #tpu.pipeline_mode<synchronous>, transform_indices = @transform_0, window_bounds = array<i64: 1, 1024>}, {pipeline_mode = #tpu.pipeline_mode<synchronous>, transform_indices = @transform_1, window_bounds = array<i64: 1024, 256>}, {transform_indices = @transform_2, window_bounds = array<i64: 2048, 256>}, {pipeline_mode = #tpu.pipeline_mode<synchronous>, transform_indices = @transform_3, window_bounds = array<i64: 1, 1024>}, {pipeline_mode = #tpu.pipeline_mode<synchronous>, transform_indices = @transform_4, window_bounds = array<i64: 1, 1024>}]} {
    %get3A = arith.constant 0 : index
    %get3A_0 = arith.constant 0 : index
    %get3A_1 = vector.load %arg3[%get3A, %get3A_0] : memref<2048x256xf32, #tpu.memory_space<vmem>>, vector<2048x256xf32>
    %get3A_2 = arith.constant 0 : index
    %get3A_3 = arith.constant 0 : index
    %get3A_4 = vector.load %arg2[%get3A_2, %get3A_3] : memref<1024x256xf32, #tpu.memory_space<vmem>>, vector<1024x256xf32>
    %mul3A = arith.constant -2.000000e+00 : f32
    %mul3A_5 = vector.broadcast %mul3A : f32 to vector<1024x256xf32>
    %mul3A_6 = arith.mulf %get3A_4, %mul3A_5 : vector<1024x256xf32>
    %dot_general3A = arith.constant dense<0.000000e+00> : vector<2048x1024xf32>
    %dot_general3A_7 = tpu.matmul %get3A_1, %mul3A_6, %dot_general3A {dimension_numbers = #tpu.dot_dimension_numbers<[1], [1], [0], [0], [0, 0, 1, 0], [], []>, transpose_lhs_hint = false} : vector<2048x256xf32>, vector<1024x256xf32>, vector<2048x1024xf32> -> vector<2048x1024xf32>
    %mul3A_8 = arith.mulf %get3A_1, %get3A_1 : vector<2048x256xf32>
    %reduce_sum3A = arith.constant dense<0.000000e+00> : vector<2048xf32>
    %reduce_sum3A_9 = vector.multi_reduction <add>, %mul3A_8, %reduce_sum3A [1] : vector<2048x256xf32> to vector<2048xf32>
    %broadcast_in_dim3A = vector.shape_cast %reduce_sum3A_9 : vector<2048xf32> to vector<2048x1xf32>
    %get3A_10 = arith.constant 0 : index
    %get3A_11 = arith.constant 0 : index
    %get3A_12 = vector.load %arg1[%get3A_10, %get3A_11] : memref<1x1024xf32, #tpu.memory_space<vmem>>, vector<1x1024xf32>
    %add3A = vector.broadcast %get3A_12 : vector<1x1024xf32> to vector<2048x1024xf32>
    %add3A_13 = arith.addf %add3A, %dot_general3A_7 : vector<2048x1024xf32>
    %add3A_14 = vector.broadcast %broadcast_in_dim3A : vector<2048x1xf32> to vector<2048x1024xf32>
    %add3A_15 = arith.addf %add3A_13, %add3A_14 : vector<2048x1024xf32>
    %reduce_min3A = arith.constant dense<0x7F800000> : vector<1024xf32>
    %reduce_min3A_16 = vector.multi_reduction <minimumf>, %add3A_15, %reduce_min3A [0] : vector<2048x1024xf32> to vector<1024xf32>
    %broadcast_in_dim3A_17 = vector.shape_cast %reduce_min3A_16 : vector<1024xf32> to vector<1x1024xf32>
    %iota3A = tpu.iota {dimensions = array<i32: 0>} : vector<2048x1xi32>
    %convert_element_type3A = arith.sitofp %iota3A : vector<2048x1xi32> to vector<2048x1xf32>
    %eq3A = vector.broadcast %broadcast_in_dim3A_17 : vector<1x1024xf32> to vector<2048x1024xf32>
    %eq3A_18 = arith.cmpf oeq, %add3A_15, %eq3A : vector<2048x1024xf32>
    %jit3A = arith.constant 8.192000e+03 : f32
    %broadcast_in_dim3A_19 = vector.shape_cast %convert_element_type3A : vector<2048x1xf32> to vector<2048x1xf32>
    %broadcast_in_dim3A_20 = vector.broadcast %broadcast_in_dim3A_19 : vector<2048x1xf32> to vector<2048x1024xf32>
    %broadcast_in_dim3A_21 = vector.broadcast %jit3A : f32 to vector<2048x1024xf32>
    %select_n3A = arith.select %eq3A_18, %broadcast_in_dim3A_20, %broadcast_in_dim3A_21 : vector<2048x1024xi1>, vector<2048x1024xf32>
    %reduce_min3A_22 = arith.constant dense<0x7F800000> : vector<1024xf32>
    %reduce_min3A_23 = vector.multi_reduction <minimumf>, %select_n3A, %reduce_min3A_22 [0] : vector<2048x1024xf32> to vector<1024xf32>
    %broadcast_in_dim3A_24 = vector.shape_cast %reduce_min3A_23 : vector<1024xf32> to vector<1x1024xf32>
    %convert_element_type3A_25 = arith.fptosi %broadcast_in_dim3A_24 : vector<1x1024xf32> to vector<1x1024xi32>
    %mul3A_26 = arith.constant 2048 : i32
    %mul3A_27 = arith.muli %arg0, %mul3A_26 : i32
    %add3A_28 = vector.broadcast %mul3A_27 : i32 to vector<1x1024xi32>
    %add3A_29 = arith.addi %convert_element_type3A_25, %add3A_28 : vector<1x1024xi32>
    %eq3A_30 = arith.constant 0 : i32
    %eq3A_31 = arith.cmpi eq, %arg0, %eq3A_30 : i32
    %convert_element_type3A_32 = arith.extui %eq3A_31 : i1 to i32
    %cond3A = arith.constant 0 : i32
    %cond3A_33 = arith.cmpi ne, %convert_element_type3A_32, %cond3A : i32
    scf.if %cond3A_33 {
      %swap3A = arith.constant 0 : index
      %swap3A_38 = arith.constant 0 : index
      %swap3A_39 = vector.load %arg5[%swap3A, %swap3A_38] : memref<1x1024xf32, #tpu.memory_space<vmem>>, vector<1x1024xf32>
      tpu.vector_store %arg5[%swap3A, %swap3A_38], %broadcast_in_dim3A_17 {strides = array<i32>} : memref<1x1024xf32, #tpu.memory_space<vmem>>, vector<1x1024xf32>,
      %swap3A_40 = arith.constant 0 : index
      %swap3A_41 = arith.constant 0 : index
      %swap3A_42 = vector.load %arg4[%swap3A_40, %swap3A_41] : memref<1x1024xi32, #tpu.memory_space<vmem>>, vector<1x1024xi32>
      tpu.vector_store %arg4[%swap3A_40, %swap3A_41], %add3A_29 {strides = array<i32>} : memref<1x1024xi32, #tpu.memory_space<vmem>>, vector<1x1024xi32>,
    } else {
    }
    %gt3A = arith.constant 0 : i32
    %gt3A_34 = arith.cmpi sgt, %arg0, %gt3A : i32
    %convert_element_type3A_35 = arith.extui %gt3A_34 : i1 to i32
    %cond3A_36 = arith.constant 0 : i32
    %cond3A_37 = arith.cmpi ne, %convert_element_type3A_35, %cond3A_36 : i32
    scf.if %cond3A_37 {
      %get3A_38 = arith.constant 0 : index
      %get3A_39 = arith.constant 0 : index
      %get3A_40 = vector.load %arg5[%get3A_38, %get3A_39] : memref<1x1024xf32, #tpu.memory_space<vmem>>, vector<1x1024xf32>
      %lt3A = arith.cmpf olt, %broadcast_in_dim3A_17, %get3A_40 : vector<1x1024xf32>
      %get3A_41 = arith.constant 0 : index
      %get3A_42 = arith.constant 0 : index
      %get3A_43 = vector.load %arg5[%get3A_41, %get3A_42] : memref<1x1024xf32, #tpu.memory_space<vmem>>, vector<1x1024xf32>
      %select_n3A_44 = arith.select %lt3A, %broadcast_in_dim3A_17, %get3A_43 : vector<1x1024xi1>, vector<1x1024xf32>
      %swap3A = arith.constant 0 : index
      %swap3A_45 = arith.constant 0 : index
      %swap3A_46 = vector.load %arg5[%swap3A, %swap3A_45] : memref<1x1024xf32, #tpu.memory_space<vmem>>, vector<1x1024xf32>
      tpu.vector_store %arg5[%swap3A, %swap3A_45], %select_n3A_44 {strides = array<i32>} : memref<1x1024xf32, #tpu.memory_space<vmem>>, vector<1x1024xf32>,
      %get3A_47 = arith.constant 0 : index
      %get3A_48 = arith.constant 0 : index
      %get3A_49 = vector.load %arg4[%get3A_47, %get3A_48] : memref<1x1024xi32, #tpu.memory_space<vmem>>, vector<1x1024xi32>
      %select_n3A_50 = arith.select %lt3A, %add3A_29, %get3A_49 : vector<1x1024xi1>, vector<1x1024xi32>
      %swap3A_51 = arith.constant 0 : index
      %swap3A_52 = arith.constant 0 : index
      %swap3A_53 = vector.load %arg4[%swap3A_51, %swap3A_52] : memref<1x1024xi32, #tpu.memory_space<vmem>>, vector<1x1024xi32>
      tpu.vector_store %arg4[%swap3A_51, %swap3A_52], %select_n3A_50 {strides = array<i32>} : memref<1x1024xi32, #tpu.memory_space<vmem>>, vector<1x1024xi32>,
    } else {
    }
    return
  }
  func.func @transform_0(%arg0: i32) -> (i32, i32) {
    %c0_i32 = arith.constant 0 : i32
    %c0_i32_0 = arith.constant 0 : i32
    %c0_i32_1 = arith.constant 0 : i32
    return %c0_i32, %c0_i32_0 : i32, i32
  }
  func.func @transform_1(%arg0: i32) -> (i32, i32) {
    %c0_i32 = arith.constant 0 : i32
    %c0_i32_0 = arith.constant 0 : i32
    %c0_i32_1 = arith.constant 0 : i32
    return %c0_i32, %c0_i32_0 : i32, i32
  }
  func.func @transform_2(%arg0: i32) -> (i32, i32) {
    %c0_i32 = arith.constant 0 : i32
    %c0_i32_0 = arith.constant 0 : i32
    return %arg0, %c0_i32 : i32, i32
  }
  func.func @transform_3(%arg0: i32) -> (i32, i32) {
    %c0_i32 = arith.constant 0 : i32
    %c0_i32_0 = arith.constant 0 : i32
    %c0_i32_1 = arith.constant 0 : i32
    return %c0_i32, %c0_i32_0 : i32, i32
  }
  func.func @transform_4(%arg0: i32) -> (i32, i32) {
    %c0_i32 = arith.constant 0 : i32
    %c0_i32_0 = arith.constant 0 : i32
    %c0_i32_1 = arith.constant 0 : i32
    return %c0_i32, %c0_i32_0 : i32, i32
  }
}

</mosaic_0001>

<sc_bundles>
// kernel: kernel.4.cloned.1.call-start
scs
__scs_entry_jumppad:
0x0: {  	(pc) =	sbr.rel $0x88, $3  }
0x1: {  	(tag) =	ssettag $0x0;
	lr =	simm.s32 $0x1  }
0x2: {  	[smem:$0x3F9F] =	sst lr;
	_ =	strace $0xD0000000  }
0x3: {  	_ = 	snop  }
0x4: {  	_ = 	snop  }
0x5: {  	_ = 	snop  }
0x6: {  	_ = 	snop  }
0x7: {  	_ = 	snop  }
__scs_overlays_trampoline_lowered:
0x8: {  	[smem:$0x3FAE] =	sst s0  }
0x9: {  	[smem:$0x3FAF] =	sst s1  }
0xa: {  	[smem:$0x3FB0] =	sst s2  }
0xb: {  	[smem:$0x3FB1] =	sst s3  }
0xc: {  	[smem:$0x3FB2] =	sst s4  }
0xd: {  	[smem:$0x3FB3] =	sst s5  }
0xe: {  	[smem:$0x3FB4] =	sst s6  }
0xf: {  	[smem:$0x3FB5] =	sst s7  }
0x10: {  	[smem:$0x3FB6] =	sst s8  }
0x11: {  	[smem:$0x3FB7] =	sst s9;
	s0 =	simm.s32 @!p0 $0x0  }
0x12: {  	s1 =	sld [smem:$0x3F9D];
	s0 =	simm.s32 @p0 $0x1  }
0x13: {  	[smem:$0x3FB8] =	sst s0;
	s0 =	simm.s32 @!p1 $0x0  }
0x14: {  	s2 =	sld [smem:$0x3F9C];
	s0 =	simm.s32 @p1 $0x1  }
0x15: {  	[smem:$0x3FB9] =	sst s0;
	s0 =	simm.s32 @!p2 $0x0  }
0x16: {  	s3 =	sld [smem:$0x3FDB];
	s0 =	simm.s32 @p2 $0x1  }
0x17: {  	s4 =	simm.s32 $0x1BF5;
	[smem:$0x3FBB] =	sst s0  }
0x18: {  	s0 =	sld [smem:$0x3F9E];
	_ =	swait.ge [sflag:s4], $0x0  }
0x19: {  	s7 =	sld [smem:$0x3F9F]  }
0x1a: {  	s8 =	sadd.s32 $0xFFFFE003, lr  }
0x1b: {  	s9 =	sadd.s32 $0xFFFFFEF7, lr;
	s5 =	simm.s32 $0xFFFFFFFF;
	p2 =	slt.u32 s8, $0xFFFFF086  }
0x1c: {  	p1 =	slt.u32 s9, $0xF7A;
	s5 =	simm.s32 @!p2 $0x0  }
0x1d: {  	s5 =	simm.s32 @p1 $0x1;
	p0 =	seq.s32 s7, s2  }
0x1e: {  	s7 =	smul.u32 @!p0 $0xF7A, s2;
	p2 =	seq.s32 @!p0 s5, $0x0  }
0x1f: {  	s9 =	smul.u32 $0xF7A, s1;
	s8 =	simm.s32 @!p0 $0x1BF5;
	p2 =	por !p2, p0  }
0x20: {  	[sflag:s8] =	ssyncset.s32 @!p0 $0xFFFFF086;
	s6 =	sadd.s32 @!p0 s3, s7;
	s7 =	simm.s32 @!p0 $0x108  }
0x21: {  	s3 =	sadd.s32 s3, s9;
	s6 =	sadd.s32 @!p0 $0x88, s6;
	s7 =	simm.s32 @p2 $0x1082  }
0x22: {  	[simem:s7], [sflag:s8] =	dma.local @!p0 [hbm:s6], $0xF7A  }
0x23: {  	s9 =	sor.u32 $0xD0000000, s2;
	s6 =	simm.s32 $0x108;
	_ =	swait.ge @!p0 [sflag:s8], $0x0  }
0x24: {  	s3 =	sadd.s32 $0x88, s3;
	s6 =	simm.s32 @!p1 $0x1082;
	[sflag:s4] =	ssyncset.s32 $0xFFFFF086  }
0x25: {  	[simem:s6], [sflag:s4] =	dma.local [hbm:s3], $0xF7A  }
0x26: {  	[smem:$0x3F9F] =	sst s1;
	(tag) =	ssettag s2;
	_ =	strace s9  }
0x27: {  	s1 =	sld [smem:$0x3FAF]  }
0x28: {  	s2 =	sld [smem:$0x3FB0]  }
0x29: {  	s4 =	sld [smem:$0x3FB2]  }
0x2a: {  	p0 =	seq.s32 s5, $0x0;
	s5 =	sld [smem:$0x3FB3]  }
0x2b: {  	s6 =	sld [smem:$0x3FB4]  }
0x2c: {  	s7 =	sld [smem:$0x3FB5]  }
0x2d: {  	s3 =	simm.s32 $0x108;
	s8 =	sld [smem:$0x3FB6]  }
0x2e: {  	s3 =	simm.s32 @!p0 $0x1082;
	s9 =	sld [smem:$0x3FB7]  }
0x2f: {  	lr =	sadd.s32 s0, s3;
	s0 =	sld [smem:$0x3FAE]  }
0x30: {  	s3 =	sld [smem:$0x3FB1]  }
0x31: {  	[smem:$0x3FBA] =	sst s10  }
0x32: {  	s10 =	sld [smem:$0x3FB8];
	_ =	sdelay $0x3  }
0x33: {  	p0 =	seq.s32 s10, $0x1;
	s10 =	sld [smem:$0x3FBA];
	_ =	sdelay $0x3  }
0x34: {  	[smem:$0x3FBA] =	sst s10  }
0x35: {  	s10 =	sld [smem:$0x3FB9];
	_ =	sdelay $0x3  }
0x36: {  	p1 =	seq.s32 s10, $0x1;
	s10 =	sld [smem:$0x3FBA];
	_ =	sdelay $0x3  }
0x37: {  	[smem:$0x3FBA] =	sst s10  }
0x38: {  	s10 =	sld [smem:$0x3FBB]  }
0x39: {  	_ = 	snop;
	(pc) =	sbr.ind lr, $3  }
0x3a: {  	_ = 	snop  }
0x3b: {  	_ = 	snop  }
0x3c: {  	p2 =	seq.s32 s10, $0x1;
	s10 =	sld [smem:$0x3FBA]  }
0x3d: {  	_ =	shalt  }
0x3e: {  	_ =	shalt  }
0x3f: {  	_ =	shalt  }
0x40: {  	_ =	shalt  }
0x41: {  	_ =	shalt  }
0x42: {  	_ =	shalt  }
0x43: {  	_ =	shalt  }
0x44: {  	_ =	shalt  }
0x45: {  	_ =	shalt  }
0x46: {  	_ =	shalt  }
0x47: {  	_ =	shalt  }
0x48: {  	_ =	shalt  }
0x49: {  	_ =	shalt  }
0x4a: {  	_ =	shalt  }
0x4b: {  	_ =	shalt  }
0x4c: {  	_ =	shalt  }
0x4d: {  	_ =	shalt  }
0x4e: {  	_ =	shalt  }
0x4f: {  	_ =	shalt  }
0x50: {  	_ =	shalt  }
0x51: {  	_ =	shalt  }
0x52: {  	_ =	shalt  }
0x53: {  	_ =	shalt  }
0x54: {  	_ =	shalt  }
0x55: {  	_ =	shalt  }
0x56: {  	_ =	shalt  }
0x57: {  	_ =	shalt  }
0x58: {  	_ =	shalt  }
0x59: {  	_ =	shalt  }
0x5a: {  	_ =	shalt  }
0x5b: {  	_ =	shalt  }
0x5c: {  	_ =	shalt  }
0x5d: {  	_ =	shalt  }
0x5e: {  	_ =	shalt  }
0x5f: {  	_ =	shalt  }
0x60: {  	_ =	shalt  }
0x61: {  	_ =	shalt  }
0x62: {  	_ =	shalt  }
0x63: {  	_ =	shalt  }
0x64: {  	_ =	shalt  }
0x65: {  	_ =	shalt  }
0x66: {  	_ =	shalt  }
0x67: {  	_ =	shalt  }
0x68: {  	_ =	shalt  }
0x69: {  	_ =	shalt  }
0x6a: {  	_ =	shalt  }
0x6b: {  	_ =	shalt  }
0x6c: {  	_ =	shalt  }
0x6d: {  	_ =	shalt  }
0x6e: {  	_ =	shalt  }
0x6f: {  	_ =	shalt  }
0x70: {  	_ =	shalt  }
0x71: {  	_ =	shalt  }
0x72: {  	_ =	shalt  }
0x73: {  	_ =	shalt  }
0x74: {  	_ =	shalt  }
0x75: {  	_ =	shalt  }
0x76: {  	_ =	shalt  }
0x77: {  	_ =	shalt  }
0x78: {  	_ =	shalt  }
0x79: {  	_ =	shalt  }
0x7a: {  	_ =	shalt  }
0x7b: {  	_ =	shalt  }
0x7c: {  	_ =	shalt  }
0x7d: {  	_ =	shalt  }
0x7e: {  	_ =	shalt  }
0x7f: {  	_ =	shalt  }
0x80: {  	_ =	shalt  }
0x81: {  	_ =	shalt  }
0x82: {  	_ =	shalt  }
0x83: {  	_ =	shalt  }
0x84: {  	_ =	shalt  }
0x85: {  	_ =	shalt  }
0x86: {  	_ =	shalt  }
0x87: {  	_ =	shalt  }
.Lfunc_end0:
.L_simem_size_0:
called_computation_lowered:
.L_overlay_start_0:
0x88: {  	s0 =	sld [smem:$0x3FD9]  }
0x89: {  	s1 =	sld [smem:$0x3FFE];
	_ =	sdelay $0x3  }
0x8a: {  	s0 =	sadd.s32 s1, s0  }
0x8b: {  	[smem:$0x3FC6] =	sst s0  }
0x8c: {  	_ = 	snop  }
0x8d: {  	s0 =	sld [smem:$0x3FD0];
	_ =	sdelay $0x2  }
0x8e: {  	s2 =	simm.s32 $0xA;
	s3 =	simm.s32 $0x10;
	s13 =	sld [smem:$0x3FC8]  }
0x8f: {  	[smem:s3], [sflag:s2] =	dma.local [hbm:s0], $0x1  }
0x90: {  	_ =	swait.eq [sflag:s2], $0x1  }
0x91: {  	[sflag:s2] =	ssyncset.done $0x0  }
0x92: {  	[sflag:s2] =	ssyncadd.s32 $0xFFFFFFFF  }
0x93: {  	s14 =	sld [smem:$0x10];
	(tm) =	ssettm $0x1  }
0x94: {  	s15 =	sld [smem:$0x3FFB];
	_ =	sdelay $0x3  }
0x95: {  	_ =	strace s15  }
0x96: {  	s2 =	sld [smem:$0x3FFC];
	_ =	sdelay $0x3  }
0x97: {  	_ =	strace s2  }
0x98: {  	s2 =	sld [smem:$0x3FFD];
	_ =	sdelay $0x3  }
0x99: {  	_ =	strace s2  }
0x9a: {  	_ =	strace $0x8FFFFFFF  }
0x9b: {  	s16 =	sld [smem:$0x3FDB];
	_ =	sdelay $0x1  }
0x9c: {  	s17 =	simm.s32 $_scs_section_size  }
0x9d: {  	s4 =	simm.s32 $_size__tile_overlayer_lowered;
	s5 =	simm.s32 $_tile_overlayer_lowered  }
0x9e: {  	s20 =	simm.s32 $0x1BFF;
	s19 =	sshll.u32 s5, $0x1;
	s2 =	sadd.s32 s17, s16  }
0x9f: {  	s6 =	simm.s32 $0x0;
	s18 =	sshll.u32 s4, $0x1;
	s4 =	sadd.s32 s19, s2  }
0xa0: {  	[timem:s6], [sflag:s20] =	dma.local [hbm:s4], s18  }
0xa1: {  	_ =	swait.ge [sflag:s20], s18  }
0xa2: {  	s3 =	ssub.s32 $0x0, s18;
	[sflag:s20] =	ssyncset.done $0x0  }
0xa3: {  	[sflag:s20] =	ssyncadd.s32 s3;
	_ =	sdelay $0x1  }
0xa4: {  	s21 =	simm.s32 $0x1B8B  }
0xa5: {  	_ =	swait.ge [sflag:s21], $0x1  }
0xa6: {  	[sflag:s21] =	ssyncset.done $0x0  }
0xa7: {  	s23 =	simm.s32 $0x1B8E;
	s22 =	sld [smem:$0x3FFE];
	[sflag:s21] =	ssyncadd.s32 $0xFFFFFFFF  }
0xa8: {  	s24 =	simm.s32 $execute0_lowered;
	[smem:$0x3FD2] =	sst s23  }
0xa9: {  	s4 =	sshll.u32 s24, $0x1;
	_ =	strace $0x80000046;
	[dreg:$0x1] =	wrdreg $0xFFFFFFFF  }
0xaa: {  	s25 =	simm.s32 $_size_execute0_lowered;
	s2 =	sadd.s32 s2, s4;
	[dreg:$0x0] =	wrdreg $0x0  }
0xab: {  	s4 =	sshll.u32 s25, $0x1;
	[dreg:$0x2] =	wrdreg s2  }
0xac: {  	[dreg:$0x3] =	wrdreg s4  }
0xad: {  	[dreg:$0x4] =	wrdreg $0xC0  }
0xae: {  	_ =	task [dreg:s6], $0x5FFFF  }
0xaf: {  	[dreg:$0x1] =	wrdreg $0xFFFFFFFF  }
0xb0: {  	[dreg:$0x0] =	wrdreg $0x60  }
0xb1: {  	[dreg:$0x2] =	wrdreg s13  }
0xb2: {  	[dreg:$0x3] =	wrdreg s22  }
0xb3: {  	[dreg:$0x4] =	wrdreg s14  }
0xb4: {  	[dreg:$0x5] =	wrdreg $0x9  }
0xb5: {  	_ =	task.clear_ibuf [dreg:s6], $0x6FFFF;
	_ =	strace $0x90000046  }
0xb6: {  	s26 =	simm.s32 $0x9;
	_ =	strace $0x80000048  }
0xb7: {  	_ =	swait.ge [sflag:s26], $0x1  }
0xb8: {  	[sflag:s26] =	ssyncadd.s32 $0xFFFFFFFF  }
0xb9: {  	_ =	strace $0x90000048  }
0xba: {  	_ =	sfence  }
0xbb: {  	s28 =	sld [smem:$0x0];
	_ =	sdelay $0x1  }
0xbc: {  	s29 =	srdreg.scid  }
0xbd: {  	s30 =	sshll.u32 s29, $0xD;
	s31 =	sshrl.u32 s29, $0x2  }
0xbe: {  	s1 =	sand.u32 $0x1, s29;
	s2 =	sand.u32 $0x4000, s30;
	s0 =	sadd.s32 s31, s28  }
0xbf: {  	s1 =	sor.u32 s2, s1;
	s0 =	sshll.u32 s0, $0x11  }
0xc0: {  	s0 =	sor.u32 s0, s1  }
0xc1: {  	s0 =	sadd.s32 $0x8F2B, s0  }
0xc2: {  	[sflag:s0] =	ssyncadd.remote.s32 $0x1  }
0xc3: {  	_ =	sfence.sel $0xFFFF  }
0xc4: {  	[dreg:$0x0] =	wrdreg $0xFFFFFFFF;
	(pc) =	sbr.abs _section_cstart, $3  }
0xc5: {  	[dreg:$0x1] =	wrdreg $0xFFFFFFFF  }
0xc6: {  	_ =	task.clear_ibuf [dreg:s6], $0x2FFFF;
	_ =	strace $0x9FFFFFFF  }
0xc7: {  	(tm) =	ssettm $0x7FFFFFFF  }
tec
execute0_lowered:
.L_overlay_start_1:
0x0: {  	(tag) =	ssettag $0x1  }
0x1: {  	s4 =	rddreg [dreg:$0x0]  }
0x2: {  	s5 =	rddreg [dreg:$0x1]  }
0x3: {  	s2 =	rddreg [dreg:$0x2];
	s1 =	stileid.u32  }
0x4: {  	s0 =	rddreg [dreg:$0x3];
	s3 =	simm.s32 $0x0;
	s6 =	sshll.u32 s1, $0x3  }
0x5: {  	[smem:$0x7FF] =	sst s3;
	s5 =	sadd.s32 s6, s5  }
0x6: {  	s21 =	simm.s32 $0x2;
	_ =	strace $0x80000047;
	s5 =	sadd.s32 $0x400, s5  }
0x7: {  	[tilespmem:s3], [sflag:$0x2] =	stream.linear.gather [hbm4b:s5+s3], $0x40, $0x38;
	[tilespmem:$0x4080] =	vst v63  }
0x8: {  	_ =	swait.ge [sflag:s21], $0x40  }
0x9: {  	[sflag:s21] =	ssyncset.done $0x0  }
0xa: {  	[sflag:s21] =	ssyncadd.s32 $0xFFFFFFC0  }
0xb: {  	v0 =	vld [tilespmem:$0x0];
	_ =	sdelay $0x4  }
0xc: {  	v1 =	vshll.u32 v0, $0x1  }
0xd: {  	v2 =	vlaneseq.u32;
	v0 =	vand.u32 $0x7, v0;
	v1 =	vand.u32 $0xFFFFFFF0, v1  }
0xe: {  	v60 =	vand.u32 $0x7, v2;
	v3 =	vshrl.u32 v2, $0x3;
	v0 =	vor.u32 v0, v1  }
0xf: {  	v3 =	vmul.u32 $0x8, v3;
	v4 =	vperm.xlane v0, v60  }
0x10: {  	v2 =	vor.u32 $0x8, v2  }
0x11: {  	v0 =	vperm.xlane v0, v2;
	v4 =	vadd.s32 v3, v4;
	_ =	sdelay $0x1  }
0x12: {  	v0 =	vadd.s32 v3, v0;
	_ =	sdelay $0x1  }
0x13: {  	vm0 =	vmmov $0xffff;
	s22 =	simm.s32 $0x80  }
0x14: {  	[tilespmem:s22], [sflag:$0x1] =	stream.indirect_vreg.gather [hbm4b:s4+s3], $0x80, v4, vm0, $0xb8;
	[tilespmem:$0x4080] =	vst v63  }
0x15: {  	s7 =	simm.s32 $0x880  }
0x16: {  	[tilespmem:s7], [sflag:$0x1] =	stream.indirect_vreg.gather [hbm4b:s4+s3], $0x80, v0, vm0, $0xb8;
	[tilespmem:$0x4080] =	vst v63  }
0x17: {  	v0 =	vld [tilespmem:$0x10];
	_ =	sdelay $0x4  }
0x18: {  	v61 =	vshll.u32 v0, $0x1  }
0x19: {  	v0 =	vand.u32 $0x7, v0;
	v4 =	vand.u32 $0xFFFFFFF0, v61  }
0x1a: {  	v0 =	vor.u32 v0, v4  }
0x1b: {  	v4 =	vperm.xlane v0, v60;
	_ =	sdelay $0x1  }
0x1c: {  	v0 =	vperm.xlane v0, v2;
	v4 =	vadd.s32 v3, v4;
	_ =	sdelay $0x1  }
0x1d: {  	v0 =	vadd.s32 v3, v0;
	_ =	sdelay $0x1  }
0x1e: {  	s23 =	simm.s32 $0x1080  }
0x1f: {  	[tilespmem:s23], [sflag:$0x1] =	stream.indirect_vreg.gather [hbm4b:s4+s3], $0x80, v4, vm0, $0xb8;
	[tilespmem:$0x4080] =	vst v63  }
0x20: {  	s24 =	simm.s32 $0x1880  }
0x21: {  	[tilespmem:s24], [sflag:$0x1] =	stream.indirect_vreg.gather [hbm4b:s4+s3], $0x80, v0, vm0, $0xb8;
	[tilespmem:$0x4080] =	vst v63  }
0x22: {  	v0 =	vld [tilespmem:$0x20];
	_ =	sdelay $0x4  }
0x23: {  	v62 =	vshll.u32 v0, $0x1  }
0x24: {  	v0 =	vand.u32 $0x7, v0;
	v4 =	vand.u32 $0xFFFFFFF0, v62  }
0x25: {  	v0 =	vor.u32 v0, v4  }
0x26: {  	v4 =	vperm.xlane v0, v60;
	_ =	sdelay $0x1  }
0x27: {  	v0 =	vperm.xlane v0, v2;
	v4 =	vadd.s32 v3, v4;
	_ =	sdelay $0x1  }
0x28: {  	v0 =	vadd.s32 v3, v0;
	_ =	sdelay $0x1  }
0x29: {  	s25 =	simm.s32 $0x2080  }
0x2a: {  	[tilespmem:s25], [sflag:$0x1] =	stream.indirect_vreg.gather [hbm4b:s4+s3], $0x80, v4, vm0, $0xb8;
	[tilespmem:$0x4080] =	vst v63  }
0x2b: {  	s26 =	simm.s32 $0x2880  }
0x2c: {  	[tilespmem:s26], [sflag:$0x1] =	stream.indirect_vreg.gather [hbm4b:s4+s3], $0x80, v0, vm0, $0xb8;
	[tilespmem:$0x4080] =	vst v63  }
0x2d: {  	v0 =	vld [tilespmem:$0x30];
	_ =	sdelay $0x4  }
0x2e: {  	v63 =	vshll.u32 v0, $0x1  }
0x2f: {  	v0 =	vand.u32 $0x7, v0;
	v4 =	vand.u32 $0xFFFFFFF0, v63  }
0x30: {  	v0 =	vor.u32 v0, v4  }
0x31: {  	v1 =	vperm.xlane v0, v60;
	_ =	sdelay $0x1  }
0x32: {  	v0 =	vperm.xlane v0, v2;
	v1 =	vadd.s32 v3, v1;
	_ =	sdelay $0x1  }
0x33: {  	v0 =	vadd.s32 v3, v0;
	_ =	sdelay $0x1  }
0x34: {  	s28 =	simm.s32 $0x3080  }
0x35: {  	[tilespmem:s28], [sflag:$0x1] =	stream.indirect_vreg.gather [hbm4b:s4+s3], $0x80, v1, vm0, $0xb8;
	[tilespmem:$0x4080] =	vst v63  }
0x36: {  	s29 =	simm.s32 $0x3880;
	s30 =	simm.s32 $0x1  }
0x37: {  	[tilespmem:s29], [sflag:$0x1] =	stream.indirect_vreg.gather [hbm4b:s4+s3], $0x80, v0, vm0, $0xb8;
	[tilespmem:$0x4080] =	vst v63  }
0x38: {  	_ =	swait.ge [sflag:s30], $0x4000  }
0x39: {  	s31 =	sshll.u32 s1, $0xB;
	[sflag:s30] =	ssyncset.done $0x0  }
0x3a: {  	s2 =	sadd.s32 s2, s31;
	[sflag:s30] =	ssyncadd.s32 $0xFFFFC000  }
0x3b: {  	[hbm4b:s2+s3] =	stream.linear.scatter [tilespmem:s22], [sflag:$0x2], $0x4000, $0x38;
	[tilespmem:$0x4080] =	vst v63  }
0x3c: {  	_ =	swait.ge [sflag:s21], $0x4000  }
0x3d: {  	[sflag:s21] =	ssyncset.done $0x0  }
0x3e: {  	[sflag:s21] =	ssyncadd.s32 $0xFFFFC000  }
0x3f: {  	_ =	sfence.sel $0x180000  }
0x40: {  	[bflag:$0x0] =	sbarrier.arrive $0xFFFF  }
0x41: {  	p0 =	sne.s32 s1, $0x0;
	_ =	strace $0x90000047  }
0x42: {  	s0 =	sadd.s32 @!p0 $0x100000, s0;
	[bflag:$0x2] =	sbarrier.arrive $0xFFFF  }
0x43: {  	[sflag:s0] =	ssyncadd.tile.s32 @!p0 $0x1;
	_ =	shalt  }
.Lfunc_end2:
_tile_overlayer_lowered:
.L_overlay_start_2:
0x44: {  	(tag) =	ssettag $0x2  }
0x45: {  	s0 =	rddreg [dreg:$0x0];
	s2 =	stileid.u32  }
0x46: {  	s1 =	rddreg [dreg:$0x1];
	p0 =	sne.s32 s2, $0x0  }
0x47: {  	s3 =	rddreg [dreg:$0x2];
	[bflag:$0x3] =	sbarrier.arrive $0xFFFF;
	s2 =	simm.s32 @!p0 $0x1C02  }
0x48: {  	[timem:s3], [sflag:s2] =	dma.local @!p0 [hbm:s0], s1  }
0x49: {  	s0 =	simm.s32 @!p0 $0x2  }
0x4a: {  	_ =	swait.ge @!p0 [sflag:s0], s1  }
0x4b: {  	s1 =	ssub.s32 @!p0 $0x0, s1;
	[sflag:s0] =	ssyncset.done @!p0 $0x0  }
0x4c: {  	[sflag:s0] =	ssyncadd.s32 @!p0 s1  }
0x4d: {  	[bflag:$0x3] =	sbarrier.arrive $0xFFFF  }
0x4e: {  	_ =	shalt  }

</sc_bundles>
